<compile_context>
chip_gen: v7x
topology: tpu7x:2x2x1
jax: 0.10.2.dev20260603
libtpu: 0.0.44.dev20260713+nightly
codegen_flags: <defaults>
</compile_context>

<pallas_src>
import functools

import jax
import jax.numpy as jnp
from jax import lax
from jax.experimental import pallas as pl
from jax.experimental.pallas import tpu as pltpu
from jax.experimental.pallas import tpu_sc as plsc

VOCAB = 100000
EMB = 50
NUM_F = 128
B = 16384
H = 64

_NC = 2
_NS = 16
_NW = _NC * _NS
_HALF = B // 2
_UNROLL = 8


def _gather_body(idx_hbm, tableT_hbm, out_hbm, row_v, idx_v, out_v, sem):
    wid = lax.axis_index("s") * _NC + lax.axis_index("c")
    for p in range(2):
        f = p * _NW + wid

        @pl.when(f < EMB)
        def _():
            row_dma = pltpu.async_copy(tableT_hbm.at[f], row_v, sem)
            pltpu.sync_copy(idx_hbm.at[pl.ds(0, _HALF)], idx_v)
            row_dma.wait()
            for h in range(2):
                if h:
                    pltpu.sync_copy(idx_hbm.at[pl.ds(h * _HALF, _HALF)], idx_v)

                @plsc.parallel_loop(0, _HALF // 16, unroll=_UNROLL)
                def _gi(i):
                    o = i * 16
                    iv = idx_v[pl.ds(o, 16)]
                    out_v[pl.ds(o, 16)] = plsc.load_gather(row_v, [iv])
                pltpu.sync_copy(out_v, out_hbm.at[f, pl.ds(h * _HALF, _HALF)])


@functools.cache
def _gatherT():
    return pl.kernel(
        _gather_body,
        out_type=jax.ShapeDtypeStruct((EMB, B), jnp.float32),
        scratch_types=[
            pltpu.VMEM((VOCAB,), jnp.float32),
            pltpu.VMEM((_HALF,), jnp.int32),
            pltpu.VMEM((_HALF,), jnp.float32),
            pltpu.SemaphoreType.DMA,
        ],
        mesh=plsc.VectorSubcoreMesh(core_axis_name="c", subcore_axis_name="s"),
        compiler_params=pltpu.CompilerParams(needs_layout_passes=False),
    )


_BLK = 8192


def _partial_body(num_ref, w2t_ref, b2_ref, pT_ref):
    pT_ref[...] = b2_ref[...] + lax.dot_general(
        w2t_ref[:, EMB:], num_ref[...], (((1,), (1,)), ((), ())),
        preferred_element_type=jnp.float32)


def _partial(num, w2t, b2c):
    grid = (B // _BLK,)
    return pl.pallas_call(
        _partial_body,
        grid=grid,
        in_specs=[
            pl.BlockSpec((_BLK, NUM_F), lambda i: (i, 0)),
            pl.BlockSpec((H, EMB + NUM_F), lambda i: (0, 0)),
            pl.BlockSpec((H, 1), lambda i: (0, 0)),
        ],
        out_specs=pl.BlockSpec((H, _BLK), lambda i: (0, i)),
        out_shape=jax.ShapeDtypeStruct((H, B), jnp.float32),
    )(num, w2t, b2c)


def _final_body(embT_ref, pT_ref, w2t_ref, woutT_ref, bout_ref,
                xT_ref, outT_ref):
    accT = pT_ref[...] + jnp.dot(
        w2t_ref[:, :EMB], embT_ref[...], preferred_element_type=jnp.float32)
    hT = accT * jax.nn.sigmoid(accT)
    xT_ref[...] = hT
    outT_ref[...] = (
        jnp.dot(woutT_ref[...], hT, preferred_element_type=jnp.float32)
        + bout_ref[...]
    )


def _final(embT, pT, w2t, woutT, boutc):
    grid = (B // _BLK,)
    return pl.pallas_call(
        _final_body,
        grid=grid,
        in_specs=[
            pl.BlockSpec((EMB, _BLK), lambda i: (0, i)),
            pl.BlockSpec((H, _BLK), lambda i: (0, i)),
            pl.BlockSpec((H, EMB + NUM_F), lambda i: (0, 0)),
            pl.BlockSpec((1, H), lambda i: (0, 0)),
            pl.BlockSpec((1, 1), lambda i: (0, 0)),
        ],
        out_specs=[
            pl.BlockSpec((H, _BLK), lambda i: (0, i)),
            pl.BlockSpec((1, _BLK), lambda i: (0, i)),
        ],
        out_shape=[
            jax.ShapeDtypeStruct((H, B), jnp.float32),
            jax.ShapeDtypeStruct((1, B), jnp.float32),
        ],
    )(embT, pT, w2t, woutT, boutc)


def kernel(cat, num, emb_table, W2, b2, Wout, bout):
    idx = cat.reshape(B).astype(jnp.int32)
    embT = _gatherT()(idx, emb_table.T)
    w2t = W2.T
    pT = _partial(num, w2t, b2.reshape(H, 1))
    xT, outT = _final(embT, pT, w2t, Wout.T, bout.reshape(1, 1))
    return (xT.T, outT.T)

# --- scband reference (transcript-rebuilt; emitter-appended) ---
"""Pipeline reference for scband-base-model-75634374082695 (READ-ONLY COPY).

The authoritative reference and input builder live on the scoring server;
editing this copy changes nothing except your own understanding.
"""

import jax, jax.numpy as jnp
import numpy as np

VOCAB = 100000
EMB = 50
NUM_F = 128
B = 16384
H = 64

def swish(x):
    return x * jax.nn.sigmoid(x)

def setup_inputs(seed: int = 0):
    key = jax.random.key(seed)
    ks = jax.random.split(key, 8)
    cat = jax.random.randint(ks[0], (B, 1), 0, VOCAB)
    num = jax.random.normal(ks[1], (B, NUM_F), dtype=jnp.float32)
    # learned parameters (GlorotNormal init in original since stage=0 is even)
    emb_table = jax.random.normal(ks[2], (VOCAB, EMB), dtype=jnp.float32) * 0.05
    W2 = jax.random.normal(ks[3], (EMB + NUM_F, H), dtype=jnp.float32) * (1.0 / np.sqrt(EMB + NUM_F))
    b2 = jnp.zeros((H,), dtype=jnp.float32)
    Wout = jax.random.normal(ks[4], (H, 1), dtype=jnp.float32) * (1.0 / np.sqrt(H))
    bout = jnp.zeros((1,), dtype=jnp.float32)
    return {"cat": cat, "num": num, "emb_table": emb_table, "W2": W2, "b2": b2, "Wout": Wout, "bout": bout}

def reference(cat, num, emb_table, W2, b2, Wout, bout):
    # call(): cat = x[:,0]; embedding lookup then Flatten ([B,1,50] -> [B,50])
    embed = jnp.take(emb_table, cat[:, 0], axis=0)
    # start_net: concat([embed, num])
    x = jnp.concatenate([embed, num], axis=1)
    # d2 Dense(64, swish), then Dropout(rate=0.0) == identity at inference
    x = swish(x @ W2 + b2)
    # out_layer Dense(1)
    out = x @ Wout + bout
    return (x, out)

if __name__ == "__main__":
    import jax
    _d = setup_inputs()
    print(jax.jit(kernel)(*tuple(_d.values())))

</pallas_src>

<mosaic_0001>
#map = affine_map<(d0, d1) -> (0)>
#map1 = affine_map<(d0, d1) -> (0, 0)>
module attributes {stable_mosaic.version = 14 : i64} {
  func.func @_gather_body(%arg0: i32, %arg1: i32, %arg2: memref<16384xi32, #tpu.memory_space<hbm>>, %arg3: memref<50x100000xf32, #tpu.memory_space<hbm>>, %arg4: memref<50x16384xf32, #tpu.memory_space<hbm>>, %arg5: memref<100000xf32, #tpu.memory_space<vmem>>, %arg6: memref<8192xi32, #tpu.memory_space<vmem>>, %arg7: memref<8192xf32, #tpu.memory_space<vmem>>, %arg8: memref<!tpu.dma_semaphore, #tpu.memory_space<semaphore_mem>>) attributes {dimension_semantics = [#tpu.dimension_semantics<core_parallel>, #tpu.dimension_semantics<subcore_parallel>], iteration_bounds = array<i64: 2, 16>, scalar_prefetch = 0 : i64, scratch_operands = 4 : i64, tpu.core_type = #tpu.core_type<sc_vector_subcore>, window_params = [{transform_indices = #map}, {transform_indices = #map1}, {transform_indices = #map1}]} {
    %mul3A = arith.constant 2 : i32
    %mul3A_0 = arith.muli %arg1, %mul3A : i32
    %add3A = arith.addi %mul3A_0, %arg0 : i32
    %add3A_1 = arith.constant 0 : i32
    %add3A_2 = arith.addi %add3A_1, %add3A : i32
    %lt3A = arith.constant 50 : i32
    %lt3A_3 = arith.cmpi slt, %add3A_2, %lt3A : i32
    %convert_element_type3A = arith.extui %lt3A_3 : i1 to i32
    %cond3A = arith.constant 0 : i32
    %cond3A_4 = arith.cmpi ne, %convert_element_type3A, %cond3A : i32
    scf.if %cond3A_4 {
      %dma_start3A = arith.constant 0 : i32
      %dma_start3A_12 = tpu.memref_slice %arg3[%add3A_2, %dma_start3A] : memref<50x100000xf32, #tpu.memory_space<hbm>> -> memref<1x100000xf32, #tpu.memory_space<hbm>>
      %dma_start3A_13 = tpu.memref_squeeze %dma_start3A_12 : memref<1x100000xf32, #tpu.memory_space<hbm>> -> memref<100000xf32, #tpu.memory_space<hbm>>
      %dma_start3A_14 = arith.constant 0 : i32
      %dma_start3A_15 = tpu.memref_slice %arg3[%add3A_2, %dma_start3A_14] : memref<50x100000xf32, #tpu.memory_space<hbm>> -> memref<1x100000xf32, #tpu.memory_space<hbm>>
      %dma_start3A_16 = tpu.memref_squeeze %dma_start3A_15 : memref<1x100000xf32, #tpu.memory_space<hbm>> -> memref<100000xf32, #tpu.memory_space<hbm>>
      tpu.enqueue_dma source(%dma_start3A_16 : memref<100000xf32, #tpu.memory_space<hbm>>) target(%arg5 : memref<100000xf32, #tpu.memory_space<vmem>>) target_semaphore(%arg8 : memref<!tpu.dma_semaphore, #tpu.memory_space<semaphore_mem>>)
      "tpu.region"() ({
        %run_scoped3A = tpu.sem_alloc : memref<!tpu.dma_semaphore, #tpu.memory_space<semaphore_mem>>
        %dma_start3A_27 = arith.constant 0 : i32
        %dma_start3A_28 = tpu.memref_slice %arg2[%dma_start3A_27] : memref<16384xi32, #tpu.memory_space<hbm>> -> memref<8192xi32, #tpu.memory_space<hbm>>
        %dma_start3A_29 = arith.constant 0 : i32
        %dma_start3A_30 = tpu.memref_slice %arg2[%dma_start3A_29] : memref<16384xi32, #tpu.memory_space<hbm>> -> memref<8192xi32, #tpu.memory_space<hbm>>
        tpu.enqueue_dma source(%dma_start3A_30 : memref<8192xi32, #tpu.memory_space<hbm>>) target(%arg6 : memref<8192xi32, #tpu.memory_space<vmem>>) target_semaphore(%run_scoped3A : memref<!tpu.dma_semaphore, #tpu.memory_space<semaphore_mem>>)
        %dma_wait3A_31 = arith.constant 0 : i32
        %dma_wait3A_32 = tpu.memref_slice %arg2[%dma_wait3A_31] : memref<16384xi32, #tpu.memory_space<hbm>> -> memref<8192xi32, #tpu.memory_space<hbm>>
        %dma_wait3A_33 = arith.constant 0 : i32
        %dma_wait3A_34 = tpu.memref_slice %arg2[%dma_wait3A_33] : memref<16384xi32, #tpu.memory_space<hbm>> -> memref<8192xi32, #tpu.memory_space<hbm>>
        tpu.wait_dma2 semaphore(%run_scoped3A : memref<!tpu.dma_semaphore, #tpu.memory_space<semaphore_mem>>) src(%dma_wait3A_34 : memref<8192xi32, #tpu.memory_space<hbm>>) dst(%arg6 : memref<8192xi32, #tpu.memory_space<vmem>>)
        tpu.yield
      }) : () -> ()
      %dma_wait3A = arith.constant 0 : i32
      %dma_wait3A_17 = tpu.memref_slice %arg3[%add3A_2, %dma_wait3A] : memref<50x100000xf32, #tpu.memory_space<hbm>> -> memref<1x100000xf32, #tpu.memory_space<hbm>>
      %dma_wait3A_18 = tpu.memref_squeeze %dma_wait3A_17 : memref<1x100000xf32, #tpu.memory_space<hbm>> -> memref<100000xf32, #tpu.memory_space<hbm>>
      %dma_wait3A_19 = arith.constant 0 : i32
      %dma_wait3A_20 = tpu.memref_slice %arg3[%add3A_2, %dma_wait3A_19] : memref<50x100000xf32, #tpu.memory_space<hbm>> -> memref<1x100000xf32, #tpu.memory_space<hbm>>
      %dma_wait3A_21 = tpu.memref_squeeze %dma_wait3A_20 : memref<1x100000xf32, #tpu.memory_space<hbm>> -> memref<100000xf32, #tpu.memory_space<hbm>>
      tpu.wait_dma2 semaphore(%arg8 : memref<!tpu.dma_semaphore, #tpu.memory_space<semaphore_mem>>) src(%dma_wait3A_21 : memref<100000xf32, #tpu.memory_space<hbm>>) dst(%arg5 : memref<100000xf32, #tpu.memory_space<vmem>>)
      %parallel_loop3A = arith.constant 0 : i32
      %parallel_loop3A_22 = arith.constant 512 : i32
      %parallel_loop3A_23 = arith.constant 1 : i32
      scf.for %parallel_loop3A_27 = %parallel_loop3A to %parallel_loop3A_22 step %parallel_loop3A_23  : i32 {
        %parallel_loop3A_28 = arith.constant 16 : i32
        %parallel_loop3A_29 = arith.muli %parallel_loop3A_27, %parallel_loop3A_28 : i32
        %parallel_loop3A_30 = arith.index_cast %parallel_loop3A_29 : i32 to index
        %parallel_loop3A_31 = tpu.vector_load %arg6[%parallel_loop3A_30] {strides = array<i32>} : memref<8192xi32, #tpu.memory_space<vmem>>, vector<16xi32>,
        %parallel_loop3A_32 = tpu.vector_load_idx %arg5[%parallel_loop3A_31] : memref<100000xf32, #tpu.memory_space<vmem>>[vector<16xi32>], vector<16xf32>,
        %parallel_loop3A_33 = arith.index_cast %parallel_loop3A_29 : i32 to index
        %parallel_loop3A_34 = tpu.vector_load %arg7[%parallel_loop3A_33] {strides = array<i32>} : memref<8192xf32, #tpu.memory_space<vmem>>, vector<16xf32>,
        tpu.vector_store %arg7[%parallel_loop3A_33], %parallel_loop3A_32 {strides = array<i32>} : memref<8192xf32, #tpu.memory_space<vmem>>, vector<16xf32>,
      } {sc.loop_unroll_factor = 8 : i64, sc.parallel_access}
      "tpu.region"() ({
        %run_scoped3A = tpu.sem_alloc : memref<!tpu.dma_semaphore, #tpu.memory_space<semaphore_mem>>
        %dma_start3A_27 = arith.constant 0 : i32
        %dma_start3A_28 = tpu.memref_slice %arg4[%add3A_2, %dma_start3A_27] : memref<50x16384xf32, #tpu.memory_space<hbm>> -> memref<1x8192xf32, #tpu.memory_space<hbm>>
        %dma_start3A_29 = tpu.memref_squeeze %dma_start3A_28 : memref<1x8192xf32, #tpu.memory_space<hbm>> -> memref<8192xf32, #tpu.memory_space<hbm>>
        %dma_start3A_30 = arith.constant 0 : i32
        %dma_start3A_31 = tpu.memref_slice %arg4[%add3A_2, %dma_start3A_30] : memref<50x16384xf32, #tpu.memory_space<hbm>> -> memref<1x8192xf32, #tpu.memory_space<hbm>>
        %dma_start3A_32 = tpu.memref_squeeze %dma_start3A_31 : memref<1x8192xf32, #tpu.memory_space<hbm>> -> memref<8192xf32, #tpu.memory_space<hbm>>
        tpu.enqueue_dma source(%arg7 : memref<8192xf32, #tpu.memory_space<vmem>>) target(%dma_start3A_32 : memref<8192xf32, #tpu.memory_space<hbm>>) target_semaphore(%run_scoped3A : memref<!tpu.dma_semaphore, #tpu.memory_space<semaphore_mem>>)
        %dma_wait3A_33 = arith.constant 0 : i32
        %dma_wait3A_34 = tpu.memref_slice %arg4[%add3A_2, %dma_wait3A_33] : memref<50x16384xf32, #tpu.memory_space<hbm>> -> memref<1x8192xf32, #tpu.memory_space<hbm>>
        %dma_wait3A_35 = tpu.memref_squeeze %dma_wait3A_34 : memref<1x8192xf32, #tpu.memory_space<hbm>> -> memref<8192xf32, #tpu.memory_space<hbm>>
        %dma_wait3A_36 = arith.constant 0 : i32
        %dma_wait3A_37 = tpu.memref_slice %arg4[%add3A_2, %dma_wait3A_36] : memref<50x16384xf32, #tpu.memory_space<hbm>> -> memref<1x8192xf32, #tpu.memory_space<hbm>>
        %dma_wait3A_38 = tpu.memref_squeeze %dma_wait3A_37 : memref<1x8192xf32, #tpu.memory_space<hbm>> -> memref<8192xf32, #tpu.memory_space<hbm>>
        tpu.wait_dma2 semaphore(%run_scoped3A : memref<!tpu.dma_semaphore, #tpu.memory_space<semaphore_mem>>) src(%arg7 : memref<8192xf32, #tpu.memory_space<vmem>>) dst(%dma_wait3A_38 : memref<8192xf32, #tpu.memory_space<hbm>>)
        tpu.yield
      }) : () -> ()
      "tpu.region"() ({
        %run_scoped3A = tpu.sem_alloc : memref<!tpu.dma_semaphore, #tpu.memory_space<semaphore_mem>>
        %dma_start3A_27 = arith.constant 8192 : i32
        %dma_start3A_28 = tpu.memref_slice %arg2[%dma_start3A_27] : memref<16384xi32, #tpu.memory_space<hbm>> -> memref<8192xi32, #tpu.memory_space<hbm>>
        %dma_start3A_29 = arith.constant 8192 : i32
        %dma_start3A_30 = tpu.memref_slice %arg2[%dma_start3A_29] : memref<16384xi32, #tpu.memory_space<hbm>> -> memref<8192xi32, #tpu.memory_space<hbm>>
        tpu.enqueue_dma source(%dma_start3A_30 : memref<8192xi32, #tpu.memory_space<hbm>>) target(%arg6 : memref<8192xi32, #tpu.memory_space<vmem>>) target_semaphore(%run_scoped3A : memref<!tpu.dma_semaphore, #tpu.memory_space<semaphore_mem>>)
        %dma_wait3A_31 = arith.constant 8192 : i32
        %dma_wait3A_32 = tpu.memref_slice %arg2[%dma_wait3A_31] : memref<16384xi32, #tpu.memory_space<hbm>> -> memref<8192xi32, #tpu.memory_space<hbm>>
        %dma_wait3A_33 = arith.constant 8192 : i32
        %dma_wait3A_34 = tpu.memref_slice %arg2[%dma_wait3A_33] : memref<16384xi32, #tpu.memory_space<hbm>> -> memref<8192xi32, #tpu.memory_space<hbm>>
        tpu.wait_dma2 semaphore(%run_scoped3A : memref<!tpu.dma_semaphore, #tpu.memory_space<semaphore_mem>>) src(%dma_wait3A_34 : memref<8192xi32, #tpu.memory_space<hbm>>) dst(%arg6 : memref<8192xi32, #tpu.memory_space<vmem>>)
        tpu.yield
      }) : () -> ()
      %parallel_loop3A_24 = arith.constant 0 : i32
      %parallel_loop3A_25 = arith.constant 512 : i32
      %parallel_loop3A_26 = arith.constant 1 : i32
      scf.for %parallel_loop3A_27 = %parallel_loop3A_24 to %parallel_loop3A_25 step %parallel_loop3A_26  : i32 {
        %parallel_loop3A_28 = arith.constant 16 : i32
        %parallel_loop3A_29 = arith.muli %parallel_loop3A_27, %parallel_loop3A_28 : i32
        %parallel_loop3A_30 = arith.index_cast %parallel_loop3A_29 : i32 to index
        %parallel_loop3A_31 = tpu.vector_load %arg6[%parallel_loop3A_30] {strides = array<i32>} : memref<8192xi32, #tpu.memory_space<vmem>>, vector<16xi32>,
        %parallel_loop3A_32 = tpu.vector_load_idx %arg5[%parallel_loop3A_31] : memref<100000xf32, #tpu.memory_space<vmem>>[vector<16xi32>], vector<16xf32>,
        %parallel_loop3A_33 = arith.index_cast %parallel_loop3A_29 : i32 to index
        %parallel_loop3A_34 = tpu.vector_load %arg7[%parallel_loop3A_33] {strides = array<i32>} : memref<8192xf32, #tpu.memory_space<vmem>>, vector<16xf32>,
        tpu.vector_store %arg7[%parallel_loop3A_33], %parallel_loop3A_32 {strides = array<i32>} : memref<8192xf32, #tpu.memory_space<vmem>>, vector<16xf32>,
      } {sc.loop_unroll_factor = 8 : i64, sc.parallel_access}
      "tpu.region"() ({
        %run_scoped3A = tpu.sem_alloc : memref<!tpu.dma_semaphore, #tpu.memory_space<semaphore_mem>>
        %dma_start3A_27 = arith.constant 8192 : i32
        %dma_start3A_28 = tpu.memref_slice %arg4[%add3A_2, %dma_start3A_27] : memref<50x16384xf32, #tpu.memory_space<hbm>> -> memref<1x8192xf32, #tpu.memory_space<hbm>>
        %dma_start3A_29 = tpu.memref_squeeze %dma_start3A_28 : memref<1x8192xf32, #tpu.memory_space<hbm>> -> memref<8192xf32, #tpu.memory_space<hbm>>
        %dma_start3A_30 = arith.constant 8192 : i32
        %dma_start3A_31 = tpu.memref_slice %arg4[%add3A_2, %dma_start3A_30] : memref<50x16384xf32, #tpu.memory_space<hbm>> -> memref<1x8192xf32, #tpu.memory_space<hbm>>
        %dma_start3A_32 = tpu.memref_squeeze %dma_start3A_31 : memref<1x8192xf32, #tpu.memory_space<hbm>> -> memref<8192xf32, #tpu.memory_space<hbm>>
        tpu.enqueue_dma source(%arg7 : memref<8192xf32, #tpu.memory_space<vmem>>) target(%dma_start3A_32 : memref<8192xf32, #tpu.memory_space<hbm>>) target_semaphore(%run_scoped3A : memref<!tpu.dma_semaphore, #tpu.memory_space<semaphore_mem>>)
        %dma_wait3A_33 = arith.constant 8192 : i32
        %dma_wait3A_34 = tpu.memref_slice %arg4[%add3A_2, %dma_wait3A_33] : memref<50x16384xf32, #tpu.memory_space<hbm>> -> memref<1x8192xf32, #tpu.memory_space<hbm>>
        %dma_wait3A_35 = tpu.memref_squeeze %dma_wait3A_34 : memref<1x8192xf32, #tpu.memory_space<hbm>> -> memref<8192xf32, #tpu.memory_space<hbm>>
        %dma_wait3A_36 = arith.constant 8192 : i32
        %dma_wait3A_37 = tpu.memref_slice %arg4[%add3A_2, %dma_wait3A_36] : memref<50x16384xf32, #tpu.memory_space<hbm>> -> memref<1x8192xf32, #tpu.memory_space<hbm>>
        %dma_wait3A_38 = tpu.memref_squeeze %dma_wait3A_37 : memref<1x8192xf32, #tpu.memory_space<hbm>> -> memref<8192xf32, #tpu.memory_space<hbm>>
        tpu.wait_dma2 semaphore(%run_scoped3A : memref<!tpu.dma_semaphore, #tpu.memory_space<semaphore_mem>>) src(%arg7 : memref<8192xf32, #tpu.memory_space<vmem>>) dst(%dma_wait3A_38 : memref<8192xf32, #tpu.memory_space<hbm>>)
        tpu.yield
      }) : () -> ()
    } else {
    }
    %add3A_5 = arith.constant 32 : i32
    %add3A_6 = arith.addi %add3A_5, %add3A : i32
    %lt3A_7 = arith.constant 50 : i32
    %lt3A_8 = arith.cmpi slt, %add3A_6, %lt3A_7 : i32
    %convert_element_type3A_9 = arith.extui %lt3A_8 : i1 to i32
    %cond3A_10 = arith.constant 0 : i32
    %cond3A_11 = arith.cmpi ne, %convert_element_type3A_9, %cond3A_10 : i32
    scf.if %cond3A_11 {
      %dma_start3A = arith.constant 0 : i32
      %dma_start3A_12 = tpu.memref_slice %arg3[%add3A_6, %dma_start3A] : memref<50x100000xf32, #tpu.memory_space<hbm>> -> memref<1x100000xf32, #tpu.memory_space<hbm>>
      %dma_start3A_13 = tpu.memref_squeeze %dma_start3A_12 : memref<1x100000xf32, #tpu.memory_space<hbm>> -> memref<100000xf32, #tpu.memory_space<hbm>>
      %dma_start3A_14 = arith.constant 0 : i32
      %dma_start3A_15 = tpu.memref_slice %arg3[%add3A_6, %dma_start3A_14] : memref<50x100000xf32, #tpu.memory_space<hbm>> -> memref<1x100000xf32, #tpu.memory_space<hbm>>
      %dma_start3A_16 = tpu.memref_squeeze %dma_start3A_15 : memref<1x100000xf32, #tpu.memory_space<hbm>> -> memref<100000xf32, #tpu.memory_space<hbm>>
      tpu.enqueue_dma source(%dma_start3A_16 : memref<100000xf32, #tpu.memory_space<hbm>>) target(%arg5 : memref<100000xf32, #tpu.memory_space<vmem>>) target_semaphore(%arg8 : memref<!tpu.dma_semaphore, #tpu.memory_space<semaphore_mem>>)
      "tpu.region"() ({
        %run_scoped3A = tpu.sem_alloc : memref<!tpu.dma_semaphore, #tpu.memory_space<semaphore_mem>>
        %dma_start3A_27 = arith.constant 0 : i32
        %dma_start3A_28 = tpu.memref_slice %arg2[%dma_start3A_27] : memref<16384xi32, #tpu.memory_space<hbm>> -> memref<8192xi32, #tpu.memory_space<hbm>>
        %dma_start3A_29 = arith.constant 0 : i32
        %dma_start3A_30 = tpu.memref_slice %arg2[%dma_start3A_29] : memref<16384xi32, #tpu.memory_space<hbm>> -> memref<8192xi32, #tpu.memory_space<hbm>>
        tpu.enqueue_dma source(%dma_start3A_30 : memref<8192xi32, #tpu.memory_space<hbm>>) target(%arg6 : memref<8192xi32, #tpu.memory_space<vmem>>) target_semaphore(%run_scoped3A : memref<!tpu.dma_semaphore, #tpu.memory_space<semaphore_mem>>)
        %dma_wait3A_31 = arith.constant 0 : i32
        %dma_wait3A_32 = tpu.memref_slice %arg2[%dma_wait3A_31] : memref<16384xi32, #tpu.memory_space<hbm>> -> memref<8192xi32, #tpu.memory_space<hbm>>
        %dma_wait3A_33 = arith.constant 0 : i32
        %dma_wait3A_34 = tpu.memref_slice %arg2[%dma_wait3A_33] : memref<16384xi32, #tpu.memory_space<hbm>> -> memref<8192xi32, #tpu.memory_space<hbm>>
        tpu.wait_dma2 semaphore(%run_scoped3A : memref<!tpu.dma_semaphore, #tpu.memory_space<semaphore_mem>>) src(%dma_wait3A_34 : memref<8192xi32, #tpu.memory_space<hbm>>) dst(%arg6 : memref<8192xi32, #tpu.memory_space<vmem>>)
        tpu.yield
      }) : () -> ()
      %dma_wait3A = arith.constant 0 : i32
      %dma_wait3A_17 = tpu.memref_slice %arg3[%add3A_6, %dma_wait3A] : memref<50x100000xf32, #tpu.memory_space<hbm>> -> memref<1x100000xf32, #tpu.memory_space<hbm>>
      %dma_wait3A_18 = tpu.memref_squeeze %dma_wait3A_17 : memref<1x100000xf32, #tpu.memory_space<hbm>> -> memref<100000xf32, #tpu.memory_space<hbm>>
      %dma_wait3A_19 = arith.constant 0 : i32
      %dma_wait3A_20 = tpu.memref_slice %arg3[%add3A_6, %dma_wait3A_19] : memref<50x100000xf32, #tpu.memory_space<hbm>> -> memref<1x100000xf32, #tpu.memory_space<hbm>>
      %dma_wait3A_21 = tpu.memref_squeeze %dma_wait3A_20 : memref<1x100000xf32, #tpu.memory_space<hbm>> -> memref<100000xf32, #tpu.memory_space<hbm>>
      tpu.wait_dma2 semaphore(%arg8 : memref<!tpu.dma_semaphore, #tpu.memory_space<semaphore_mem>>) src(%dma_wait3A_21 : memref<100000xf32, #tpu.memory_space<hbm>>) dst(%arg5 : memref<100000xf32, #tpu.memory_space<vmem>>)
      %parallel_loop3A = arith.constant 0 : i32
      %parallel_loop3A_22 = arith.constant 512 : i32
      %parallel_loop3A_23 = arith.constant 1 : i32
      scf.for %parallel_loop3A_27 = %parallel_loop3A to %parallel_loop3A_22 step %parallel_loop3A_23  : i32 {
        %parallel_loop3A_28 = arith.constant 16 : i32
        %parallel_loop3A_29 = arith.muli %parallel_loop3A_27, %parallel_loop3A_28 : i32
        %parallel_loop3A_30 = arith.index_cast %parallel_loop3A_29 : i32 to index
        %parallel_loop3A_31 = tpu.vector_load %arg6[%parallel_loop3A_30] {strides = array<i32>} : memref<8192xi32, #tpu.memory_space<vmem>>, vector<16xi32>,
        %parallel_loop3A_32 = tpu.vector_load_idx %arg5[%parallel_loop3A_31] : memref<100000xf32, #tpu.memory_space<vmem>>[vector<16xi32>], vector<16xf32>,
        %parallel_loop3A_33 = arith.index_cast %parallel_loop3A_29 : i32 to index
        %parallel_loop3A_34 = tpu.vector_load %arg7[%parallel_loop3A_33] {strides = array<i32>} : memref<8192xf32, #tpu.memory_space<vmem>>, vector<16xf32>,
        tpu.vector_store %arg7[%parallel_loop3A_33], %parallel_loop3A_32 {strides = array<i32>} : memref<8192xf32, #tpu.memory_space<vmem>>, vector<16xf32>,
      } {sc.loop_unroll_factor = 8 : i64, sc.parallel_access}
      "tpu.region"() ({
        %run_scoped3A = tpu.sem_alloc : memref<!tpu.dma_semaphore, #tpu.memory_space<semaphore_mem>>
        %dma_start3A_27 = arith.constant 0 : i32
        %dma_start3A_28 = tpu.memref_slice %arg4[%add3A_6, %dma_start3A_27] : memref<50x16384xf32, #tpu.memory_space<hbm>> -> memref<1x8192xf32, #tpu.memory_space<hbm>>
        %dma_start3A_29 = tpu.memref_squeeze %dma_start3A_28 : memref<1x8192xf32, #tpu.memory_space<hbm>> -> memref<8192xf32, #tpu.memory_space<hbm>>
        %dma_start3A_30 = arith.constant 0 : i32
        %dma_start3A_31 = tpu.memref_slice %arg4[%add3A_6, %dma_start3A_30] : memref<50x16384xf32, #tpu.memory_space<hbm>> -> memref<1x8192xf32, #tpu.memory_space<hbm>>
        %dma_start3A_32 = tpu.memref_squeeze %dma_start3A_31 : memref<1x8192xf32, #tpu.memory_space<hbm>> -> memref<8192xf32, #tpu.memory_space<hbm>>
        tpu.enqueue_dma source(%arg7 : memref<8192xf32, #tpu.memory_space<vmem>>) target(%dma_start3A_32 : memref<8192xf32, #tpu.memory_space<hbm>>) target_semaphore(%run_scoped3A : memref<!tpu.dma_semaphore, #tpu.memory_space<semaphore_mem>>)
        %dma_wait3A_33 = arith.constant 0 : i32
        %dma_wait3A_34 = tpu.memref_slice %arg4[%add3A_6, %dma_wait3A_33] : memref<50x16384xf32, #tpu.memory_space<hbm>> -> memref<1x8192xf32, #tpu.memory_space<hbm>>
        %dma_wait3A_35 = tpu.memref_squeeze %dma_wait3A_34 : memref<1x8192xf32, #tpu.memory_space<hbm>> -> memref<8192xf32, #tpu.memory_space<hbm>>
        %dma_wait3A_36 = arith.constant 0 : i32
        %dma_wait3A_37 = tpu.memref_slice %arg4[%add3A_6, %dma_wait3A_36] : memref<50x16384xf32, #tpu.memory_space<hbm>> -> memref<1x8192xf32, #tpu.memory_space<hbm>>
        %dma_wait3A_38 = tpu.memref_squeeze %dma_wait3A_37 : memref<1x8192xf32, #tpu.memory_space<hbm>> -> memref<8192xf32, #tpu.memory_space<hbm>>
        tpu.wait_dma2 semaphore(%run_scoped3A : memref<!tpu.dma_semaphore, #tpu.memory_space<semaphore_mem>>) src(%arg7 : memref<8192xf32, #tpu.memory_space<vmem>>) dst(%dma_wait3A_38 : memref<8192xf32, #tpu.memory_space<hbm>>)
        tpu.yield
      }) : () -> ()
      "tpu.region"() ({
        %run_scoped3A = tpu.sem_alloc : memref<!tpu.dma_semaphore, #tpu.memory_space<semaphore_mem>>
        %dma_start3A_27 = arith.constant 8192 : i32
        %dma_start3A_28 = tpu.memref_slice %arg2[%dma_start3A_27] : memref<16384xi32, #tpu.memory_space<hbm>> -> memref<8192xi32, #tpu.memory_space<hbm>>
        %dma_start3A_29 = arith.constant 8192 : i32
        %dma_start3A_30 = tpu.memref_slice %arg2[%dma_start3A_29] : memref<16384xi32, #tpu.memory_space<hbm>> -> memref<8192xi32, #tpu.memory_space<hbm>>
        tpu.enqueue_dma source(%dma_start3A_30 : memref<8192xi32, #tpu.memory_space<hbm>>) target(%arg6 : memref<8192xi32, #tpu.memory_space<vmem>>) target_semaphore(%run_scoped3A : memref<!tpu.dma_semaphore, #tpu.memory_space<semaphore_mem>>)
        %dma_wait3A_31 = arith.constant 8192 : i32
        %dma_wait3A_32 = tpu.memref_slice %arg2[%dma_wait3A_31] : memref<16384xi32, #tpu.memory_space<hbm>> -> memref<8192xi32, #tpu.memory_space<hbm>>
        %dma_wait3A_33 = arith.constant 8192 : i32
        %dma_wait3A_34 = tpu.memref_slice %arg2[%dma_wait3A_33] : memref<16384xi32, #tpu.memory_space<hbm>> -> memref<8192xi32, #tpu.memory_space<hbm>>
        tpu.wait_dma2 semaphore(%run_scoped3A : memref<!tpu.dma_semaphore, #tpu.memory_space<semaphore_mem>>) src(%dma_wait3A_34 : memref<8192xi32, #tpu.memory_space<hbm>>) dst(%arg6 : memref<8192xi32, #tpu.memory_space<vmem>>)
        tpu.yield
      }) : () -> ()
      %parallel_loop3A_24 = arith.constant 0 : i32
      %parallel_loop3A_25 = arith.constant 512 : i32
      %parallel_loop3A_26 = arith.constant 1 : i32
      scf.for %parallel_loop3A_27 = %parallel_loop3A_24 to %parallel_loop3A_25 step %parallel_loop3A_26  : i32 {
        %parallel_loop3A_28 = arith.constant 16 : i32
        %parallel_loop3A_29 = arith.muli %parallel_loop3A_27, %parallel_loop3A_28 : i32
        %parallel_loop3A_30 = arith.index_cast %parallel_loop3A_29 : i32 to index
        %parallel_loop3A_31 = tpu.vector_load %arg6[%parallel_loop3A_30] {strides = array<i32>} : memref<8192xi32, #tpu.memory_space<vmem>>, vector<16xi32>,
        %parallel_loop3A_32 = tpu.vector_load_idx %arg5[%parallel_loop3A_31] : memref<100000xf32, #tpu.memory_space<vmem>>[vector<16xi32>], vector<16xf32>,
        %parallel_loop3A_33 = arith.index_cast %parallel_loop3A_29 : i32 to index
        %parallel_loop3A_34 = tpu.vector_load %arg7[%parallel_loop3A_33] {strides = array<i32>} : memref<8192xf32, #tpu.memory_space<vmem>>, vector<16xf32>,
        tpu.vector_store %arg7[%parallel_loop3A_33], %parallel_loop3A_32 {strides = array<i32>} : memref<8192xf32, #tpu.memory_space<vmem>>, vector<16xf32>,
      } {sc.loop_unroll_factor = 8 : i64, sc.parallel_access}
      "tpu.region"() ({
        %run_scoped3A = tpu.sem_alloc : memref<!tpu.dma_semaphore, #tpu.memory_space<semaphore_mem>>
        %dma_start3A_27 = arith.constant 8192 : i32
        %dma_start3A_28 = tpu.memref_slice %arg4[%add3A_6, %dma_start3A_27] : memref<50x16384xf32, #tpu.memory_space<hbm>> -> memref<1x8192xf32, #tpu.memory_space<hbm>>
        %dma_start3A_29 = tpu.memref_squeeze %dma_start3A_28 : memref<1x8192xf32, #tpu.memory_space<hbm>> -> memref<8192xf32, #tpu.memory_space<hbm>>
        %dma_start3A_30 = arith.constant 8192 : i32
        %dma_start3A_31 = tpu.memref_slice %arg4[%add3A_6, %dma_start3A_30] : memref<50x16384xf32, #tpu.memory_space<hbm>> -> memref<1x8192xf32, #tpu.memory_space<hbm>>
        %dma_start3A_32 = tpu.memref_squeeze %dma_start3A_31 : memref<1x8192xf32, #tpu.memory_space<hbm>> -> memref<8192xf32, #tpu.memory_space<hbm>>
        tpu.enqueue_dma source(%arg7 : memref<8192xf32, #tpu.memory_space<vmem>>) target(%dma_start3A_32 : memref<8192xf32, #tpu.memory_space<hbm>>) target_semaphore(%run_scoped3A : memref<!tpu.dma_semaphore, #tpu.memory_space<semaphore_mem>>)
        %dma_wait3A_33 = arith.constant 8192 : i32
        %dma_wait3A_34 = tpu.memref_slice %arg4[%add3A_6, %dma_wait3A_33] : memref<50x16384xf32, #tpu.memory_space<hbm>> -> memref<1x8192xf32, #tpu.memory_space<hbm>>
        %dma_wait3A_35 = tpu.memref_squeeze %dma_wait3A_34 : memref<1x8192xf32, #tpu.memory_space<hbm>> -> memref<8192xf32, #tpu.memory_space<hbm>>
        %dma_wait3A_36 = arith.constant 8192 : i32
        %dma_wait3A_37 = tpu.memref_slice %arg4[%add3A_6, %dma_wait3A_36] : memref<50x16384xf32, #tpu.memory_space<hbm>> -> memref<1x8192xf32, #tpu.memory_space<hbm>>
        %dma_wait3A_38 = tpu.memref_squeeze %dma_wait3A_37 : memref<1x8192xf32, #tpu.memory_space<hbm>> -> memref<8192xf32, #tpu.memory_space<hbm>>
        tpu.wait_dma2 semaphore(%run_scoped3A : memref<!tpu.dma_semaphore, #tpu.memory_space<semaphore_mem>>) src(%arg7 : memref<8192xf32, #tpu.memory_space<vmem>>) dst(%dma_wait3A_38 : memref<8192xf32, #tpu.memory_space<hbm>>)
        tpu.yield
      }) : () -> ()
    } else {
    }
    return
  }
}

module attributes {stable_mosaic.version = 14 : i64} {
  func.func @_partial_body(%arg0: i32, %arg1: memref<8192x128xf32, #tpu.memory_space<vmem>>, %arg2: memref<64x178xf32, #tpu.memory_space<vmem>>, %arg3: memref<64x1xf32, #tpu.memory_space<vmem>>, %arg4: memref<64x8192xf32, #tpu.memory_space<vmem>>) attributes {dimension_semantics = [#tpu.dimension_semantics<arbitrary>], iteration_bounds = array<i64: 2>, scalar_prefetch = 0 : i64, scratch_operands = 0 : i64, tpu.core_type = #tpu.core_type<tc>, window_params = [{transform_indices = @transform_0, window_bounds = array<i64: 8192, 128>}, {pipeline_mode = #tpu.pipeline_mode<synchronous>, transform_indices = @transform_1, window_bounds = array<i64: 64, 178>}, {pipeline_mode = #tpu.pipeline_mode<synchronous>, transform_indices = @transform_2, window_bounds = array<i64: 64, 1>}, {transform_indices = @transform_3, window_bounds = array<i64: 64, 8192>}]} {
    %get3A = arith.constant 0 : index
    %get3A_0 = arith.constant 0 : index
    %get3A_1 = vector.load %arg3[%get3A, %get3A_0] : memref<64x1xf32, #tpu.memory_space<vmem>>, vector<64x1xf32>
    %get3A_2 = arith.constant 0 : index
    %get3A_3 = arith.constant 50 : index
    %get3A_4 = vector.load %arg2[%get3A_2, %get3A_3] : memref<64x178xf32, #tpu.memory_space<vmem>>, vector<64x128xf32>
    %get3A_5 = arith.constant 0 : index
    %get3A_6 = arith.constant 0 : index
    %get3A_7 = vector.load %arg1[%get3A_5, %get3A_6] : memref<8192x128xf32, #tpu.memory_space<vmem>>, vector<8192x128xf32>
    %dot_general3A = arith.constant dense<0.000000e+00> : vector<64x8192xf32>
    %dot_general3A_8 = tpu.matmul %get3A_4, %get3A_7, %dot_general3A {dimension_numbers = #tpu.dot_dimension_numbers<[1], [1], [0], [0], [0, 0, 1, 0], [], []>, transpose_lhs_hint = false} : vector<64x128xf32>, vector<8192x128xf32>, vector<64x8192xf32> -> vector<64x8192xf32>
    %add3A = vector.broadcast %get3A_1 : vector<64x1xf32> to vector<64x8192xf32>
    %add3A_9 = arith.addf %add3A, %dot_general3A_8 : vector<64x8192xf32>
    %swap3A = arith.constant 0 : index
    %swap3A_10 = arith.constant 0 : index
    %swap3A_11 = vector.load %arg4[%swap3A, %swap3A_10] : memref<64x8192xf32, #tpu.memory_space<vmem>>, vector<64x8192xf32>
    tpu.vector_store %arg4[%swap3A, %swap3A_10], %add3A_9 {strides = array<i32>} : memref<64x8192xf32, #tpu.memory_space<vmem>>, vector<64x8192xf32>,
    return
  }
  func.func @transform_0(%arg0: i32) -> (i32, i32) {
    %c0_i32 = arith.constant 0 : i32
    %c0_i32_0 = arith.constant 0 : i32
    return %arg0, %c0_i32 : i32, i32
  }
  func.func @transform_1(%arg0: i32) -> (i32, i32) {
    %c0_i32 = arith.constant 0 : i32
    %c0_i32_0 = arith.constant 0 : i32
    %c0_i32_1 = arith.constant 0 : i32
    return %c0_i32, %c0_i32_0 : i32, i32
  }
  func.func @transform_2(%arg0: i32) -> (i32, i32) {
    %c0_i32 = arith.constant 0 : i32
    %c0_i32_0 = arith.constant 0 : i32
    %c0_i32_1 = arith.constant 0 : i32
    return %c0_i32, %c0_i32_0 : i32, i32
  }
  func.func @transform_3(%arg0: i32) -> (i32, i32) {
    %c0_i32 = arith.constant 0 : i32
    %c0_i32_0 = arith.constant 0 : i32
    return %c0_i32, %arg0 : i32, i32
  }
}

module attributes {stable_mosaic.version = 14 : i64} {
  func.func @_final_body(%arg0: i32, %arg1: memref<50x8192xf32, #tpu.memory_space<vmem>>, %arg2: memref<64x8192xf32, #tpu.memory_space<vmem>>, %arg3: memref<64x178xf32, #tpu.memory_space<vmem>>, %arg4: memref<1x64xf32, #tpu.memory_space<vmem>>, %arg5: memref<1x1xf32, #tpu.memory_space<vmem>>, %arg6: memref<64x8192xf32, #tpu.memory_space<vmem>>, %arg7: memref<1x8192xf32, #tpu.memory_space<vmem>>) attributes {dimension_semantics = [#tpu.dimension_semantics<arbitrary>], iteration_bounds = array<i64: 2>, scalar_prefetch = 0 : i64, scratch_operands = 0 : i64, tpu.core_type = #tpu.core_type<tc>, window_params = [{transform_indices = @transform_0, window_bounds = array<i64: 50, 8192>}, {transform_indices = @transform_1, window_bounds = array<i64: 64, 8192>}, {pipeline_mode = #tpu.pipeline_mode<synchronous>, transform_indices = @transform_2, window_bounds = array<i64: 64, 178>}, {pipeline_mode = #tpu.pipeline_mode<synchronous>, transform_indices = @transform_3, window_bounds = array<i64: 1, 64>}, {pipeline_mode = #tpu.pipeline_mode<synchronous>, transform_indices = @transform_4, window_bounds = array<i64: 1, 1>}, {transform_indices = @transform_5, window_bounds = array<i64: 64, 8192>}, {transform_indices = @transform_6, window_bounds = array<i64: 1, 8192>}]} {
    %get3A = arith.constant 0 : index
    %get3A_0 = arith.constant 0 : index
    %get3A_1 = vector.load %arg2[%get3A, %get3A_0] : memref<64x8192xf32, #tpu.memory_space<vmem>>, vector<64x8192xf32>
    %get3A_2 = arith.constant 0 : index
    %get3A_3 = arith.constant 0 : index
    %get3A_4 = vector.load %arg3[%get3A_2, %get3A_3] : memref<64x178xf32, #tpu.memory_space<vmem>>, vector<64x50xf32>
    %get3A_5 = arith.constant 0 : index
    %get3A_6 = arith.constant 0 : index
    %get3A_7 = vector.load %arg1[%get3A_5, %get3A_6] : memref<50x8192xf32, #tpu.memory_space<vmem>>, vector<50x8192xf32>
    %dot_general3A = arith.constant dense<0.000000e+00> : vector<64x8192xf32>
    %dot_general3A_8 = tpu.matmul %get3A_4, %get3A_7, %dot_general3A {dimension_numbers = #tpu.dot_dimension_numbers<[1], [0], [0], [1], [0, 0, 1, 1], [], []>, transpose_lhs_hint = false} : vector<64x50xf32>, vector<50x8192xf32>, vector<64x8192xf32> -> vector<64x8192xf32>
    %add3A = arith.addf %get3A_1, %dot_general3A_8 : vector<64x8192xf32>
    %logistic3A = arith.negf %add3A : vector<64x8192xf32>
    %logistic3A_9 = math.exp %logistic3A : vector<64x8192xf32>
    %logistic3A_10 = arith.constant 1.000000e+00 : f32
    %logistic3A_11 = vector.broadcast %logistic3A_10 : f32 to vector<64x8192xf32>
    %logistic3A_12 = arith.addf %logistic3A_11, %logistic3A_9 : vector<64x8192xf32>
    %logistic3A_13 = arith.divf %logistic3A_11, %logistic3A_12 : vector<64x8192xf32>
    %mul3A = arith.mulf %add3A, %logistic3A_13 : vector<64x8192xf32>
    %swap3A = arith.constant 0 : index
    %swap3A_14 = arith.constant 0 : index
    %swap3A_15 = vector.load %arg6[%swap3A, %swap3A_14] : memref<64x8192xf32, #tpu.memory_space<vmem>>, vector<64x8192xf32>
    tpu.vector_store %arg6[%swap3A, %swap3A_14], %mul3A {strides = array<i32>} : memref<64x8192xf32, #tpu.memory_space<vmem>>, vector<64x8192xf32>,
    %get3A_16 = arith.constant 0 : index
    %get3A_17 = arith.constant 0 : index
    %get3A_18 = vector.load %arg4[%get3A_16, %get3A_17] : memref<1x64xf32, #tpu.memory_space<vmem>>, vector<1x64xf32>
    %dot_general3A_19 = arith.constant dense<0.000000e+00> : vector<1x8192xf32>
    %dot_general3A_20 = tpu.matmul %get3A_18, %mul3A, %dot_general3A_19 {dimension_numbers = #tpu.dot_dimension_numbers<[1], [0], [0], [1], [0, 0, 1, 1], [], []>, transpose_lhs_hint = false} : vector<1x64xf32>, vector<64x8192xf32>, vector<1x8192xf32> -> vector<1x8192xf32>
    %get3A_21 = arith.constant 0 : index
    %get3A_22 = arith.constant 0 : index
    %get3A_23 = vector.load %arg5[%get3A_21, %get3A_22] : memref<1x1xf32, #tpu.memory_space<vmem>>, vector<1x1xf32>
    %add3A_24 = vector.broadcast %get3A_23 : vector<1x1xf32> to vector<1x8192xf32>
    %add3A_25 = arith.addf %dot_general3A_20, %add3A_24 : vector<1x8192xf32>
    %swap3A_26 = arith.constant 0 : index
    %swap3A_27 = arith.constant 0 : index
    %swap3A_28 = vector.load %arg7[%swap3A_26, %swap3A_27] : memref<1x8192xf32, #tpu.memory_space<vmem>>, vector<1x8192xf32>
    tpu.vector_store %arg7[%swap3A_26, %swap3A_27], %add3A_25 {strides = array<i32>} : memref<1x8192xf32, #tpu.memory_space<vmem>>, vector<1x8192xf32>,
    return
  }
  func.func @transform_0(%arg0: i32) -> (i32, i32) {
    %c0_i32 = arith.constant 0 : i32
    %c0_i32_0 = arith.constant 0 : i32
    return %c0_i32, %arg0 : i32, i32
  }
  func.func @transform_1(%arg0: i32) -> (i32, i32) {
    %c0_i32 = arith.constant 0 : i32
    %c0_i32_0 = arith.constant 0 : i32
    return %c0_i32, %arg0 : i32, i32
  }
  func.func @transform_2(%arg0: i32) -> (i32, i32) {
    %c0_i32 = arith.constant 0 : i32
    %c0_i32_0 = arith.constant 0 : i32
    %c0_i32_1 = arith.constant 0 : i32
    return %c0_i32, %c0_i32_0 : i32, i32
  }
  func.func @transform_3(%arg0: i32) -> (i32, i32) {
    %c0_i32 = arith.constant 0 : i32
    %c0_i32_0 = arith.constant 0 : i32
    %c0_i32_1 = arith.constant 0 : i32
    return %c0_i32, %c0_i32_0 : i32, i32
  }
  func.func @transform_4(%arg0: i32) -> (i32, i32) {
    %c0_i32 = arith.constant 0 : i32
    %c0_i32_0 = arith.constant 0 : i32
    %c0_i32_1 = arith.constant 0 : i32
    return %c0_i32, %c0_i32_0 : i32, i32
  }
  func.func @transform_5(%arg0: i32) -> (i32, i32) {
    %c0_i32 = arith.constant 0 : i32
    %c0_i32_0 = arith.constant 0 : i32
    return %c0_i32, %arg0 : i32, i32
  }
  func.func @transform_6(%arg0: i32) -> (i32, i32) {
    %c0_i32 = arith.constant 0 : i32
    %c0_i32_0 = arith.constant 0 : i32
    return %c0_i32, %arg0 : i32, i32
  }
}

</mosaic_0001>

<sc_bundles>
// kernel: kernel.5.cloned.1.call-start
scs
__scs_entry_jumppad:
0x0: {  	(pc) =	sbr.rel $0x88, $3  }
0x1: {  	(tag) =	ssettag $0x0;
	lr =	simm.s32 $0x1  }
0x2: {  	[smem:$0x3F9A] =	sst lr;
	_ =	strace $0xD0000000  }
0x3: {  	_ = 	snop  }
0x4: {  	_ = 	snop  }
0x5: {  	_ = 	snop  }
0x6: {  	_ = 	snop  }
0x7: {  	_ = 	snop  }
__scs_overlays_trampoline_lowered:
0x8: {  	[smem:$0x3FA9] =	sst s0  }
0x9: {  	[smem:$0x3FAA] =	sst s1  }
0xa: {  	[smem:$0x3FAB] =	sst s2  }
0xb: {  	[smem:$0x3FAC] =	sst s3  }
0xc: {  	[smem:$0x3FAD] =	sst s4  }
0xd: {  	[smem:$0x3FAE] =	sst s5  }
0xe: {  	[smem:$0x3FAF] =	sst s6  }
0xf: {  	[smem:$0x3FB0] =	sst s7  }
0x10: {  	[smem:$0x3FB1] =	sst s8  }
0x11: {  	[smem:$0x3FB2] =	sst s9;
	s0 =	simm.s32 @!p0 $0x0  }
0x12: {  	s1 =	sld [smem:$0x3F98];
	s0 =	simm.s32 @p0 $0x1  }
0x13: {  	[smem:$0x3FB3] =	sst s0;
	s0 =	simm.s32 @!p1 $0x0  }
0x14: {  	s2 =	sld [smem:$0x3F97];
	s0 =	simm.s32 @p1 $0x1  }
0x15: {  	[smem:$0x3FB4] =	sst s0;
	s0 =	simm.s32 @!p2 $0x0  }
0x16: {  	s3 =	sld [smem:$0x3FDB];
	s0 =	simm.s32 @p2 $0x1  }
0x17: {  	s4 =	simm.s32 $0x1BF5;
	[smem:$0x3FB6] =	sst s0  }
0x18: {  	s0 =	sld [smem:$0x3F99];
	_ =	swait.ge [sflag:s4], $0x0  }
0x19: {  	s7 =	sld [smem:$0x3F9A]  }
0x1a: {  	s8 =	sadd.s32 $0xFFFFE003, lr  }
0x1b: {  	s9 =	sadd.s32 $0xFFFFFEF7, lr;
	s5 =	simm.s32 $0xFFFFFFFF;
	p2 =	slt.u32 s8, $0xFFFFF086  }
0x1c: {  	p1 =	slt.u32 s9, $0xF7A;
	s5 =	simm.s32 @!p2 $0x0  }
0x1d: {  	s5 =	simm.s32 @p1 $0x1;
	p0 =	seq.s32 s7, s2  }
0x1e: {  	s7 =	smul.u32 @!p0 $0xF7A, s2;
	p2 =	seq.s32 @!p0 s5, $0x0  }
0x1f: {  	s9 =	smul.u32 $0xF7A, s1;
	s8 =	simm.s32 @!p0 $0x1BF5;
	p2 =	por !p2, p0  }
0x20: {  	[sflag:s8] =	ssyncset.s32 @!p0 $0xFFFFF086;
	s6 =	sadd.s32 @!p0 s3, s7;
	s7 =	simm.s32 @!p0 $0x108  }
0x21: {  	s3 =	sadd.s32 s3, s9;
	s6 =	sadd.s32 @!p0 $0x88, s6;
	s7 =	simm.s32 @p2 $0x1082  }
0x22: {  	[simem:s7], [sflag:s8] =	dma.local @!p0 [hbm:s6], $0xF7A  }
0x23: {  	s9 =	sor.u32 $0xD0000000, s2;
	s6 =	simm.s32 $0x108;
	_ =	swait.ge @!p0 [sflag:s8], $0x0  }
0x24: {  	s3 =	sadd.s32 $0x88, s3;
	s6 =	simm.s32 @!p1 $0x1082;
	[sflag:s4] =	ssyncset.s32 $0xFFFFF086  }
0x25: {  	[simem:s6], [sflag:s4] =	dma.local [hbm:s3], $0xF7A  }
0x26: {  	[smem:$0x3F9A] =	sst s1;
	(tag) =	ssettag s2;
	_ =	strace s9  }
0x27: {  	s1 =	sld [smem:$0x3FAA]  }
0x28: {  	s2 =	sld [smem:$0x3FAB]  }
0x29: {  	s4 =	sld [smem:$0x3FAD]  }
0x2a: {  	p0 =	seq.s32 s5, $0x0;
	s5 =	sld [smem:$0x3FAE]  }
0x2b: {  	s6 =	sld [smem:$0x3FAF]  }
0x2c: {  	s7 =	sld [smem:$0x3FB0]  }
0x2d: {  	s3 =	simm.s32 $0x108;
	s8 =	sld [smem:$0x3FB1]  }
0x2e: {  	s3 =	simm.s32 @!p0 $0x1082;
	s9 =	sld [smem:$0x3FB2]  }
0x2f: {  	lr =	sadd.s32 s0, s3;
	s0 =	sld [smem:$0x3FA9]  }
0x30: {  	s3 =	sld [smem:$0x3FAC]  }
0x31: {  	[smem:$0x3FB5] =	sst s10  }
0x32: {  	s10 =	sld [smem:$0x3FB3];
	_ =	sdelay $0x3  }
0x33: {  	p0 =	seq.s32 s10, $0x1;
	s10 =	sld [smem:$0x3FB5];
	_ =	sdelay $0x3  }
0x34: {  	[smem:$0x3FB5] =	sst s10  }
0x35: {  	s10 =	sld [smem:$0x3FB4];
	_ =	sdelay $0x3  }
0x36: {  	p1 =	seq.s32 s10, $0x1;
	s10 =	sld [smem:$0x3FB5];
	_ =	sdelay $0x3  }
0x37: {  	[smem:$0x3FB5] =	sst s10  }
0x38: {  	s10 =	sld [smem:$0x3FB6]  }
0x39: {  	_ = 	snop;
	(pc) =	sbr.ind lr, $3  }
0x3a: {  	_ = 	snop  }
0x3b: {  	_ = 	snop  }
0x3c: {  	p2 =	seq.s32 s10, $0x1;
	s10 =	sld [smem:$0x3FB5]  }
0x3d: {  	_ =	shalt  }
0x3e: {  	_ =	shalt  }
0x3f: {  	_ =	shalt  }
0x40: {  	_ =	shalt  }
0x41: {  	_ =	shalt  }
0x42: {  	_ =	shalt  }
0x43: {  	_ =	shalt  }
0x44: {  	_ =	shalt  }
0x45: {  	_ =	shalt  }
0x46: {  	_ =	shalt  }
0x47: {  	_ =	shalt  }
0x48: {  	_ =	shalt  }
0x49: {  	_ =	shalt  }
0x4a: {  	_ =	shalt  }
0x4b: {  	_ =	shalt  }
0x4c: {  	_ =	shalt  }
0x4d: {  	_ =	shalt  }
0x4e: {  	_ =	shalt  }
0x4f: {  	_ =	shalt  }
0x50: {  	_ =	shalt  }
0x51: {  	_ =	shalt  }
0x52: {  	_ =	shalt  }
0x53: {  	_ =	shalt  }
0x54: {  	_ =	shalt  }
0x55: {  	_ =	shalt  }
0x56: {  	_ =	shalt  }
0x57: {  	_ =	shalt  }
0x58: {  	_ =	shalt  }
0x59: {  	_ =	shalt  }
0x5a: {  	_ =	shalt  }
0x5b: {  	_ =	shalt  }
0x5c: {  	_ =	shalt  }
0x5d: {  	_ =	shalt  }
0x5e: {  	_ =	shalt  }
0x5f: {  	_ =	shalt  }
0x60: {  	_ =	shalt  }
0x61: {  	_ =	shalt  }
0x62: {  	_ =	shalt  }
0x63: {  	_ =	shalt  }
0x64: {  	_ =	shalt  }
0x65: {  	_ =	shalt  }
0x66: {  	_ =	shalt  }
0x67: {  	_ =	shalt  }
0x68: {  	_ =	shalt  }
0x69: {  	_ =	shalt  }
0x6a: {  	_ =	shalt  }
0x6b: {  	_ =	shalt  }
0x6c: {  	_ =	shalt  }
0x6d: {  	_ =	shalt  }
0x6e: {  	_ =	shalt  }
0x6f: {  	_ =	shalt  }
0x70: {  	_ =	shalt  }
0x71: {  	_ =	shalt  }
0x72: {  	_ =	shalt  }
0x73: {  	_ =	shalt  }
0x74: {  	_ =	shalt  }
0x75: {  	_ =	shalt  }
0x76: {  	_ =	shalt  }
0x77: {  	_ =	shalt  }
0x78: {  	_ =	shalt  }
0x79: {  	_ =	shalt  }
0x7a: {  	_ =	shalt  }
0x7b: {  	_ =	shalt  }
0x7c: {  	_ =	shalt  }
0x7d: {  	_ =	shalt  }
0x7e: {  	_ =	shalt  }
0x7f: {  	_ =	shalt  }
0x80: {  	_ =	shalt  }
0x81: {  	_ =	shalt  }
0x82: {  	_ =	shalt  }
0x83: {  	_ =	shalt  }
0x84: {  	_ =	shalt  }
0x85: {  	_ =	shalt  }
0x86: {  	_ =	shalt  }
0x87: {  	_ =	shalt  }
.Lfunc_end0:
.L_simem_size_0:
called_computation_lowered:
.L_overlay_start_0:
0x88: {  	s2 =	sld [smem:$0x3FD9]  }
0x89: {  	s3 =	sld [smem:$0x3FFE];
	_ =	sdelay $0x1  }
0x8a: {  	s1 =	srdreg.scid  }
0x8b: {  	s0 =	sand.u32 $0x1, s1  }
0x8c: {  	s15 =	sshll.u32 s0, $0xA;
	s2 =	sadd.s32 s3, s2  }
0x8d: {  	s2 =	sadd.s32 s2, s15  }
0x8e: {  	[smem:$0x3FC1] =	sst s2  }
0x8f: {  	_ = 	snop  }
0x90: {  	s2 =	sld [smem:$0x3FD0];
	_ =	sdelay $0x1  }
0x91: {  	s16 =	sld [smem:$0x3FC9]  }
0x92: {  	s5 =	simm.s32 $0xA;
	s6 =	simm.s32 $0x10;
	s4 =	sld [smem:$0x3FC7]  }
0x93: {  	[smem:s6], [sflag:s5] =	dma.local [hbm:s2], $0x1  }
0x94: {  	_ =	swait.eq [sflag:s5], $0x1  }
0x95: {  	[sflag:s5] =	ssyncset.done $0x0  }
0x96: {  	[sflag:s5] =	ssyncadd.s32 $0xFFFFFFFF  }
0x97: {  	s17 =	sld [smem:$0x10];
	(tm) =	ssettm $0x1  }
0x98: {  	s18 =	sld [smem:$0x3FFB];
	_ =	sdelay $0x3  }
0x99: {  	_ =	strace s18  }
0x9a: {  	s5 =	sld [smem:$0x3FFC];
	_ =	sdelay $0x3  }
0x9b: {  	_ =	strace s5  }
0x9c: {  	s5 =	sld [smem:$0x3FFD];
	_ =	sdelay $0x3  }
0x9d: {  	_ =	strace s5  }
0x9e: {  	_ =	strace $0x8FFFFFFF  }
0x9f: {  	s19 =	sld [smem:$0x3FDB];
	_ =	sdelay $0x1  }
0xa0: {  	s20 =	simm.s32 $_scs_section_size  }
0xa1: {  	s7 =	simm.s32 $_size__tile_overlayer_lowered;
	s8 =	simm.s32 $_tile_overlayer_lowered  }
0xa2: {  	s23 =	simm.s32 $0x1BFF;
	s22 =	sshll.u32 s8, $0x1;
	s5 =	sadd.s32 s20, s19  }
0xa3: {  	s9 =	simm.s32 $0x0;
	s21 =	sshll.u32 s7, $0x1;
	s7 =	sadd.s32 s22, s5  }
0xa4: {  	[timem:s9], [sflag:s23] =	dma.local [hbm:s7], s21  }
0xa5: {  	_ =	swait.ge [sflag:s23], s21  }
0xa6: {  	s6 =	ssub.s32 $0x0, s21;
	[sflag:s23] =	ssyncset.done $0x0  }
0xa7: {  	[sflag:s23] =	ssyncadd.s32 s6;
	_ =	sdelay $0x1  }
0xa8: {  	s24 =	simm.s32 $0x1B8B  }
0xa9: {  	_ =	swait.ge [sflag:s24], $0x1  }
0xaa: {  	[sflag:s24] =	ssyncset.done $0x0  }
0xab: {  	s25 =	simm.s32 $0x1B8E;
	[sflag:s24] =	ssyncadd.s32 $0xFFFFFFFF  }
0xac: {  	s26 =	simm.s32 $execute0_lowered;
	[smem:$0x3FD2] =	sst s25  }
0xad: {  	s6 =	sshll.u32 s26, $0x1;
	_ =	strace $0x80000046;
	[dreg:$0x1] =	wrdreg $0xFFFFFFFF  }
0xae: {  	s28 =	simm.s32 $_size_execute0_lowered;
	s5 =	sadd.s32 s5, s6;
	[dreg:$0x0] =	wrdreg $0x0  }
0xaf: {  	s6 =	sshll.u32 s28, $0x1;
	[dreg:$0x2] =	wrdreg s5  }
0xb0: {  	[dreg:$0x3] =	wrdreg s6  }
0xb1: {  	[dreg:$0x4] =	wrdreg $0xC0  }
0xb2: {  	_ =	task [dreg:s9], $0x5FFFF  }
0xb3: {  	[dreg:$0x1] =	wrdreg $0xFFFFFFFF  }
0xb4: {  	[dreg:$0x0] =	wrdreg $0x60  }
0xb5: {  	[dreg:$0x2] =	wrdreg s16  }
0xb6: {  	[dreg:$0x3] =	wrdreg s4  }
0xb7: {  	[dreg:$0x4] =	wrdreg s17  }
0xb8: {  	[dreg:$0x5] =	wrdreg $0x9  }
0xb9: {  	_ =	task.clear_ibuf [dreg:s9], $0x6FFFF;
	_ =	strace $0x90000046  }
0xba: {  	s29 =	simm.s32 $0x9;
	_ =	strace $0x80000048  }
0xbb: {  	_ =	swait.ge [sflag:s29], $0x1  }
0xbc: {  	[sflag:s29] =	ssyncadd.s32 $0xFFFFFFFF  }
0xbd: {  	_ =	strace $0x90000048  }
0xbe: {  	_ =	sfence  }
0xbf: {  	s30 =	sld [smem:$0x0];
	_ =	sdelay $0x2  }
0xc0: {  	s31 =	sshll.u32 s1, $0xD;
	s1 =	sshrl.u32 s1, $0x2  }
0xc1: {  	s3 =	sand.u32 $0x4000, s31;
	s1 =	sadd.s32 s1, s30  }
0xc2: {  	s0 =	sor.u32 s3, s0;
	s1 =	sshll.u32 s1, $0x11  }
0xc3: {  	s0 =	sor.u32 s1, s0  }
0xc4: {  	s0 =	sadd.s32 $0x8F2B, s0  }
0xc5: {  	[sflag:s0] =	ssyncadd.remote.s32 $0x1  }
0xc6: {  	_ =	sfence.sel $0xFFFF  }
0xc7: {  	[dreg:$0x0] =	wrdreg $0xFFFFFFFF;
	(pc) =	sbr.abs _section_cstart, $3  }
0xc8: {  	[dreg:$0x1] =	wrdreg $0xFFFFFFFF  }
0xc9: {  	_ =	task.clear_ibuf [dreg:s9], $0x2FFFF;
	_ =	strace $0x9FFFFFFF  }
0xca: {  	(tm) =	ssettm $0x7FFFFFFF  }
0xcb: {  	_ =	shalt  }
tec
execute0_lowered:
.L_overlay_start_1:
0x0: {  	(tag) =	ssettag $0x1  }
0x1: {  	s1 =	rddreg [dreg:$0x0]  }
0x2: {  	s8 =	rddreg [dreg:$0x1]  }
0x3: {  	s9 =	rddreg [dreg:$0x2]  }
0x4: {  	s0 =	rddreg [dreg:$0x3]  }
0x5: {  	s3 =	simm.s32 $0x0;
	s4 =	srdreg.scid;
	s2 =	stileid.u32  }
0x6: {  	s15 =	simm.s32 $0x2;
	s16 =	simm.s32 $0x1;
	s17 =	simm.s32 $0x1A700  }
0x7: {  	s18 =	simm.s32 $0x0;
	[smem:$0x7FF] =	sst s3;
	s4 =	sand.u32 $0x1, s4  }
0x8: {  	s6 =	sshrl.u32 s2, $0x2;
	s7 =	sshll.u32 s2, $0x8;
	s14 =	sadd.s32 $0x2000, s9  }
0x9: {  	p0 =	sgt.u32 s2, $0x8;
	s5 =	ssub.s32 $0x2, s4;
	s4 =	sshll.u32 s4, $0x7  }
0xa: {  	s7 =	sand.u32 $0x300, s7;
	s10 =	smul.u32 $0xC3800, s6;
	_ =	strace $0x80000047  }
0xb: {  	s29 =	sshll.u32 s6, $0x11;
	s30 =	sor.u32 $0x4, s6;
	s6 =	sadd.s32 $0x400, s1  }
0xc: {  	s11 =	sshrl.u32 s5, $0x1;
	s7 =	sor.u32 s4, s7;
	s13 =	smul.u32 $0xC3800, s30  }
0xd: {  	s11 =	ssub.s32 s5, s11;
	s4 =	sor.u32 s10, s7;
	s5 =	sor.u32 s29, s7  }
0xe: {  	s10 =	sshll.u32 s30, $0x11;
	s4 =	sshrl.u32 s4, $0x3;
	s12 =	sshrl.u32 s5, $0x3  }
.Ltmp0:
0xf: {  	s13 =	sor.u32 s7, s13;
	s10 =	sor.u32 s7, s10;
	(pc) =	sbr.rel .LBB2_1-.Ltmp0, $4  }
0x10: {  	s11 =	smax.u32 s11, $0x1;
	s4 =	sadd.s32 s8, s4;
	s5 =	sadd.s32 s9, s12  }
0x11: {  	s7 =	sadd.s32 s12, s14;
	s31 =	sshrl.u32 s13, $0x3;
	s10 =	sshrl.u32 s10, $0x3  }
0x12: {  	s12 =	simm.s32 $0x80;
	s13 =	simm.s32 $0x400;
	s8 =	sadd.s32 s8, s31  }
0x13: {  	s9 =	sadd.s32 s9, s10;
	s10 =	sadd.s32 s10, s14;
	s14 =	simm.s32 $0x18700  }
.LBB2_10:
0x14: {  	[tilespmem:s19+$0xFFFFFFE0] =	vst v5  }
0x15: {  	[tilespmem:s19+$0xFFFFFFF0] =	vst v3  }
0x16: {  	[tilespmem:s19+$0x0] =	vst v0  }
0x17: {  	[tilespmem:s19+$0x10] =	vst v1  }
0x18: {  	[tilespmem:s19+$0x20] =	vst v2  }
0x19: {  	[tilespmem:s19+$0xFFFFFFC0] =	vst v4  }
0x1a: {  	[hbm4b:s10+s12] =	stream.strided.scatter [tilespmem:s17], [sflag:$0x2], $0x2000, s13, s12, $0x38;
	[tilespmem:$0x1C700] =	vst v63  }
0x1b: {  	_ =	swait.ge [sflag:s15], $0x2000  }
0x1c: {  	[sflag:s15] =	ssyncset.done $0x0  }
0x1d: {  	[sflag:s15] =	ssyncadd.s32 $0xFFFFE000  }
.LBB2_11:
0x1e: {  	s18 =	sadd.s32 $0x1, s18  }
0x1f: {  	p1 =	sne.s32 s18, s11  }
.Ltmp1:
0x20: {  	_ = 	snop;
	(pc) =	sbr.rel @!p1 .LBB2_12-.Ltmp1, $1  }
0x21: {  	_ =	sdelay $0x3  }
.LBB2_1:
0x22: {  	[tilespmem:s3], [sflag:$0x1] =	stream.strided.gather [hbm4b:s4+s12], $0x18700, s13, s12, $0x38;
	[tilespmem:$0x1C700] =	vst v63  }
0x23: {  	_ = 	snop  }
0x24: {  	[tilespmem:s14], [sflag:$0x2] =	stream.linear.gather [hbm4b:s1+s3], $0x2000, $0x38;
	[tilespmem:$0x1C700] =	vst v63  }
0x25: {  	_ =	swait.ge [sflag:s15], $0x2000  }
0x26: {  	[sflag:s15] =	ssyncset.done $0x0  }
0x27: {  	[sflag:s15] =	ssyncadd.s32 $0xFFFFE000  }
0x28: {  	_ =	swait.ge [sflag:s16], $0x18700  }
0x29: {  	[sflag:s16] =	ssyncset.done $0x0  }
0x2a: {  	s19 =	simm.s32 $0x18740;
	[sflag:s16] =	ssyncadd.s32 $0xFFFE7900  }
0x2b: {  	v0 =	vld [tilespmem:s19+$0x30]  }
0x2c: {  	v1 =	vld [tilespmem:s19+$0xFFFFFFD0]  }
0x2d: {  	v2 =	vld [tilespmem:s19+$0xFFFFFFE0]  }
0x2e: {  	v3 =	vld [tilespmem:s19+$0xFFFFFFF0]  }
0x2f: {  	v4 =	vld [tilespmem:s19+$0x0]  }
0x30: {  	v6 =	vld [tilespmem:s19+$0x10]  }
0x31: {  	v7 =	vld [tilespmem:s19+$0x20]  }
0x32: {  	v8 =	vld [tilespmem:s19+$0xFFFFFFC0]  }
0x33: {  	v9 =	vld.idx.msk [tilespmem:v0+s3+$0x0], $0xffff  }
0x34: {  	v10 =	vld.idx.msk [tilespmem:v1+s3+$0x0], $0xffff  }
0x35: {  	v5 =	vld.idx.msk [tilespmem:v2+s3+$0x0], $0xffff  }
0x36: {  	v3 =	vld.idx.msk [tilespmem:v3+s3+$0x0], $0xffff  }
0x37: {  	v0 =	vld.idx.msk [tilespmem:v4+s3+$0x0], $0xffff  }
0x38: {  	s19 =	simm.s32 $0x1A740;
	v1 =	vld.idx.msk [tilespmem:v6+s3+$0x0], $0xffff  }
0x39: {  	v2 =	vld.idx.msk [tilespmem:v7+s3+$0x0], $0xffff;
	[tilespmem:s19+$0x30] =	vst v9  }
0x3a: {  	s20 =	simm.s32 $0x0;
	s21 =	simm.s32 $0x187C0;
	v4 =	vld.idx.msk [tilespmem:v8+s3+$0x0], $0xffff;
	[tilespmem:s19+$0xFFFFFFD0] =	vst v10  }
.LBB2_2:
0x3b: {  	v6 =	vld [tilespmem:s21+$0x30];
	s20 =	sadd.s32 $0x8, s20;
	[tilespmem:s19+$0xFFFFFFE0] =	vst v5  }
0x3c: {  	v5 =	vld [tilespmem:s21+$0xFFFFFFD0];
	p1 =	slt.u32 s20, $0x1F8;
	[tilespmem:s19+$0xFFFFFFF0] =	vst v3  }
0x3d: {  	v3 =	vld [tilespmem:s21+$0xFFFFFFE0];
	[tilespmem:s19+$0x0] =	vst v0  }
0x3e: {  	v0 =	vld [tilespmem:s21+$0xFFFFFFF0];
	[tilespmem:s19+$0x10] =	vst v1  }
0x3f: {  	v1 =	vld [tilespmem:s21+$0x0];
	[tilespmem:s19+$0x20] =	vst v2  }
0x40: {  	v2 =	vld [tilespmem:s21+$0x10];
	[tilespmem:s19+$0xFFFFFFC0] =	vst v4  }
0x41: {  	v4 =	vld [tilespmem:s21+$0x20]  }
0x42: {  	v7 =	vld [tilespmem:s21+$0xFFFFFFC0]  }
0x43: {  	v6 =	vld.idx.msk [tilespmem:v6+s3+$0x0], $0xffff  }
0x44: {  	v8 =	vld.idx.msk [tilespmem:v5+s3+$0x0], $0xffff  }
0x45: {  	v5 =	vld.idx.msk [tilespmem:v3+s3+$0x0], $0xffff  }
.Ltmp2:
0x46: {  	v3 =	vld.idx.msk [tilespmem:v0+s3+$0x0], $0xffff;
	(pc) =	sbr.rel @p1 .LBB2_2-.Ltmp2, $4  }
0x47: {  	v0 =	vld.idx.msk [tilespmem:v1+s3+$0x0], $0xffff  }
0x48: {  	s19 =	sadd.s32 $0x80, s19;
	v1 =	vld.idx.msk [tilespmem:v2+s3+$0x0], $0xffff  }
0x49: {  	v2 =	vld.idx.msk [tilespmem:v4+s3+$0x0], $0xffff;
	[tilespmem:s19+$0x30] =	vst v6  }
0x4a: {  	s21 =	sadd.s32 $0x80, s21;
	v4 =	vld.idx.msk [tilespmem:v7+s3+$0x0], $0xffff;
	[tilespmem:s19+$0xFFFFFFD0] =	vst v8  }
0x4b: {  	[tilespmem:s19+$0xFFFFFFE0] =	vst v5  }
0x4c: {  	[tilespmem:s19+$0xFFFFFFF0] =	vst v3  }
0x4d: {  	[tilespmem:s19+$0x0] =	vst v0  }
0x4e: {  	[tilespmem:s19+$0x10] =	vst v1  }
0x4f: {  	[tilespmem:s19+$0x20] =	vst v2  }
0x50: {  	[tilespmem:s19+$0xFFFFFFC0] =	vst v4  }
0x51: {  	[hbm4b:s5+s12] =	stream.strided.scatter [tilespmem:s17], [sflag:$0x2], $0x2000, s13, s12, $0x38;
	[tilespmem:$0x1C700] =	vst v63  }
0x52: {  	_ =	swait.ge [sflag:s15], $0x2000  }
0x53: {  	[sflag:s15] =	ssyncset.done $0x0  }
0x54: {  	[sflag:s15] =	ssyncadd.s32 $0xFFFFE000  }
0x55: {  	[tilespmem:s14], [sflag:$0x2] =	stream.linear.gather [hbm4b:s6+s3], $0x2000, $0x38;
	[tilespmem:$0x1C700] =	vst v63  }
0x56: {  	_ =	swait.ge [sflag:s15], $0x2000  }
0x57: {  	[sflag:s15] =	ssyncset.done $0x0  }
0x58: {  	s31 =	simm.s32 $0x18740;
	[sflag:s15] =	ssyncadd.s32 $0xFFFFE000  }
0x59: {  	v0 =	vld [tilespmem:s31+$0x30]  }
0x5a: {  	v1 =	vld [tilespmem:s31+$0xFFFFFFD0]  }
0x5b: {  	v2 =	vld [tilespmem:s31+$0xFFFFFFE0]  }
0x5c: {  	v3 =	vld [tilespmem:s31+$0xFFFFFFF0]  }
0x5d: {  	v4 =	vld [tilespmem:s31+$0x0]  }
0x5e: {  	v6 =	vld [tilespmem:s31+$0x10]  }
0x5f: {  	v7 =	vld [tilespmem:s31+$0x20]  }
0x60: {  	v8 =	vld [tilespmem:s31+$0xFFFFFFC0]  }
0x61: {  	v9 =	vld.idx.msk [tilespmem:v0+s3+$0x0], $0xffff  }
0x62: {  	v10 =	vld.idx.msk [tilespmem:v1+s3+$0x0], $0xffff  }
0x63: {  	v5 =	vld.idx.msk [tilespmem:v2+s3+$0x0], $0xffff  }
0x64: {  	v3 =	vld.idx.msk [tilespmem:v3+s3+$0x0], $0xffff  }
0x65: {  	v0 =	vld.idx.msk [tilespmem:v4+s3+$0x0], $0xffff  }
0x66: {  	s19 =	simm.s32 $0x1A740;
	v1 =	vld.idx.msk [tilespmem:v6+s3+$0x0], $0xffff  }
0x67: {  	v2 =	vld.idx.msk [tilespmem:v7+s3+$0x0], $0xffff;
	[tilespmem:s19+$0x30] =	vst v9  }
0x68: {  	s20 =	simm.s32 $0x0;
	s21 =	simm.s32 $0x187C0;
	v4 =	vld.idx.msk [tilespmem:v8+s3+$0x0], $0xffff;
	[tilespmem:s19+$0xFFFFFFD0] =	vst v10  }
.LBB2_4:
0x69: {  	v6 =	vld [tilespmem:s21+$0x30];
	s20 =	sadd.s32 $0x8, s20;
	[tilespmem:s19+$0xFFFFFFE0] =	vst v5  }
0x6a: {  	v5 =	vld [tilespmem:s21+$0xFFFFFFD0];
	p1 =	slt.u32 s20, $0x1F8;
	[tilespmem:s19+$0xFFFFFFF0] =	vst v3  }
0x6b: {  	v3 =	vld [tilespmem:s21+$0xFFFFFFE0];
	[tilespmem:s19+$0x0] =	vst v0  }
0x6c: {  	v0 =	vld [tilespmem:s21+$0xFFFFFFF0];
	[tilespmem:s19+$0x10] =	vst v1  }
0x6d: {  	v1 =	vld [tilespmem:s21+$0x0];
	[tilespmem:s19+$0x20] =	vst v2  }
0x6e: {  	v2 =	vld [tilespmem:s21+$0x10];
	[tilespmem:s19+$0xFFFFFFC0] =	vst v4  }
0x6f: {  	v4 =	vld [tilespmem:s21+$0x20]  }
0x70: {  	v7 =	vld [tilespmem:s21+$0xFFFFFFC0]  }
0x71: {  	v6 =	vld.idx.msk [tilespmem:v6+s3+$0x0], $0xffff  }
0x72: {  	v8 =	vld.idx.msk [tilespmem:v5+s3+$0x0], $0xffff  }
0x73: {  	v5 =	vld.idx.msk [tilespmem:v3+s3+$0x0], $0xffff  }
.Ltmp3:
0x74: {  	v3 =	vld.idx.msk [tilespmem:v0+s3+$0x0], $0xffff;
	(pc) =	sbr.rel @p1 .LBB2_4-.Ltmp3, $4  }
0x75: {  	v0 =	vld.idx.msk [tilespmem:v1+s3+$0x0], $0xffff  }
0x76: {  	s19 =	sadd.s32 $0x80, s19;
	v1 =	vld.idx.msk [tilespmem:v2+s3+$0x0], $0xffff  }
0x77: {  	v2 =	vld.idx.msk [tilespmem:v4+s3+$0x0], $0xffff;
	[tilespmem:s19+$0x30] =	vst v6  }
0x78: {  	s21 =	sadd.s32 $0x80, s21;
	v4 =	vld.idx.msk [tilespmem:v7+s3+$0x0], $0xffff;
	[tilespmem:s19+$0xFFFFFFD0] =	vst v8  }
0x79: {  	[tilespmem:s19+$0xFFFFFFE0] =	vst v5  }
0x7a: {  	[tilespmem:s19+$0xFFFFFFF0] =	vst v3  }
0x7b: {  	[tilespmem:s19+$0x0] =	vst v0  }
0x7c: {  	[tilespmem:s19+$0x10] =	vst v1  }
0x7d: {  	[tilespmem:s19+$0x20] =	vst v2  }
.Ltmp4:
0x7e: {  	[tilespmem:s19+$0xFFFFFFC0] =	vst v4;
	(pc) =	sbr.rel @p0 .LBB2_11-.Ltmp4, $4  }
0x7f: {  	[hbm4b:s7+s12] =	stream.strided.scatter [tilespmem:s17], [sflag:$0x2], $0x2000, s13, s12, $0x38;
	[tilespmem:$0x1C700] =	vst v63  }
0x80: {  	_ =	swait.ge [sflag:s15], $0x2000  }
0x81: {  	[sflag:s15] =	ssyncset.done $0x0  }
0x82: {  	[sflag:s15] =	ssyncadd.s32 $0xFFFFE000  }
0x83: {  	[tilespmem:s3], [sflag:$0x1] =	stream.strided.gather [hbm4b:s8+s12], $0x18700, s13, s12, $0x38;
	[tilespmem:$0x1C700] =	vst v63  }
0x84: {  	_ = 	snop  }
0x85: {  	[tilespmem:s14], [sflag:$0x2] =	stream.linear.gather [hbm4b:s1+s3], $0x2000, $0x38;
	[tilespmem:$0x1C700] =	vst v63  }
0x86: {  	_ =	swait.ge [sflag:s15], $0x2000  }
0x87: {  	[sflag:s15] =	ssyncset.done $0x0  }
0x88: {  	[sflag:s15] =	ssyncadd.s32 $0xFFFFE000  }
0x89: {  	_ =	swait.ge [sflag:s16], $0x18700  }
0x8a: {  	[sflag:s16] =	ssyncset.done $0x0  }
0x8b: {  	s19 =	simm.s32 $0x18740;
	[sflag:s16] =	ssyncadd.s32 $0xFFFE7900  }
0x8c: {  	v0 =	vld [tilespmem:s19+$0x30]  }
0x8d: {  	v1 =	vld [tilespmem:s19+$0xFFFFFFD0]  }
0x8e: {  	v2 =	vld [tilespmem:s19+$0xFFFFFFE0]  }
0x8f: {  	v3 =	vld [tilespmem:s19+$0xFFFFFFF0]  }
0x90: {  	v4 =	vld [tilespmem:s19+$0x0]  }
0x91: {  	v6 =	vld [tilespmem:s19+$0x10]  }
0x92: {  	v7 =	vld [tilespmem:s19+$0x20]  }
0x93: {  	v8 =	vld [tilespmem:s19+$0xFFFFFFC0]  }
0x94: {  	v9 =	vld.idx.msk [tilespmem:v0+s3+$0x0], $0xffff  }
0x95: {  	v10 =	vld.idx.msk [tilespmem:v1+s3+$0x0], $0xffff  }
0x96: {  	v5 =	vld.idx.msk [tilespmem:v2+s3+$0x0], $0xffff  }
0x97: {  	v3 =	vld.idx.msk [tilespmem:v3+s3+$0x0], $0xffff  }
0x98: {  	v0 =	vld.idx.msk [tilespmem:v4+s3+$0x0], $0xffff  }
0x99: {  	s19 =	simm.s32 $0x1A740;
	v1 =	vld.idx.msk [tilespmem:v6+s3+$0x0], $0xffff  }
0x9a: {  	v2 =	vld.idx.msk [tilespmem:v7+s3+$0x0], $0xffff;
	[tilespmem:s19+$0x30] =	vst v9  }
0x9b: {  	s20 =	simm.s32 $0x0;
	s21 =	simm.s32 $0x187C0;
	v4 =	vld.idx.msk [tilespmem:v8+s3+$0x0], $0xffff;
	[tilespmem:s19+$0xFFFFFFD0] =	vst v10  }
.LBB2_7:
0x9c: {  	v6 =	vld [tilespmem:s21+$0x30];
	s20 =	sadd.s32 $0x8, s20;
	[tilespmem:s19+$0xFFFFFFE0] =	vst v5  }
0x9d: {  	v5 =	vld [tilespmem:s21+$0xFFFFFFD0];
	p1 =	slt.u32 s20, $0x1F8;
	[tilespmem:s19+$0xFFFFFFF0] =	vst v3  }
0x9e: {  	v3 =	vld [tilespmem:s21+$0xFFFFFFE0];
	[tilespmem:s19+$0x0] =	vst v0  }
0x9f: {  	v0 =	vld [tilespmem:s21+$0xFFFFFFF0];
	[tilespmem:s19+$0x10] =	vst v1  }
0xa0: {  	v1 =	vld [tilespmem:s21+$0x0];
	[tilespmem:s19+$0x20] =	vst v2  }
0xa1: {  	v2 =	vld [tilespmem:s21+$0x10];
	[tilespmem:s19+$0xFFFFFFC0] =	vst v4  }
0xa2: {  	v4 =	vld [tilespmem:s21+$0x20]  }
0xa3: {  	v7 =	vld [tilespmem:s21+$0xFFFFFFC0]  }
0xa4: {  	v6 =	vld.idx.msk [tilespmem:v6+s3+$0x0], $0xffff  }
0xa5: {  	v8 =	vld.idx.msk [tilespmem:v5+s3+$0x0], $0xffff  }
0xa6: {  	v5 =	vld.idx.msk [tilespmem:v3+s3+$0x0], $0xffff  }
.Ltmp5:
0xa7: {  	v3 =	vld.idx.msk [tilespmem:v0+s3+$0x0], $0xffff;
	(pc) =	sbr.rel @p1 .LBB2_7-.Ltmp5, $4  }
0xa8: {  	v0 =	vld.idx.msk [tilespmem:v1+s3+$0x0], $0xffff  }
0xa9: {  	s19 =	sadd.s32 $0x80, s19;
	v1 =	vld.idx.msk [tilespmem:v2+s3+$0x0], $0xffff  }
0xaa: {  	v2 =	vld.idx.msk [tilespmem:v4+s3+$0x0], $0xffff;
	[tilespmem:s19+$0x30] =	vst v6  }
0xab: {  	s21 =	sadd.s32 $0x80, s21;
	v4 =	vld.idx.msk [tilespmem:v7+s3+$0x0], $0xffff;
	[tilespmem:s19+$0xFFFFFFD0] =	vst v8  }
0xac: {  	[tilespmem:s19+$0xFFFFFFE0] =	vst v5  }
0xad: {  	[tilespmem:s19+$0xFFFFFFF0] =	vst v3  }
0xae: {  	[tilespmem:s19+$0x0] =	vst v0  }
0xaf: {  	[tilespmem:s19+$0x10] =	vst v1  }
0xb0: {  	[tilespmem:s19+$0x20] =	vst v2  }
0xb1: {  	[tilespmem:s19+$0xFFFFFFC0] =	vst v4  }
0xb2: {  	[hbm4b:s9+s12] =	stream.strided.scatter [tilespmem:s17], [sflag:$0x2], $0x2000, s13, s12, $0x38;
	[tilespmem:$0x1C700] =	vst v63  }
0xb3: {  	_ =	swait.ge [sflag:s15], $0x2000  }
0xb4: {  	[sflag:s15] =	ssyncset.done $0x0  }
0xb5: {  	[sflag:s15] =	ssyncadd.s32 $0xFFFFE000  }
0xb6: {  	[tilespmem:s14], [sflag:$0x2] =	stream.linear.gather [hbm4b:s6+s3], $0x2000, $0x38;
	[tilespmem:$0x1C700] =	vst v63  }
0xb7: {  	_ =	swait.ge [sflag:s15], $0x2000  }
0xb8: {  	[sflag:s15] =	ssyncset.done $0x0  }
0xb9: {  	s31 =	simm.s32 $0x18740;
	[sflag:s15] =	ssyncadd.s32 $0xFFFFE000  }
0xba: {  	v0 =	vld [tilespmem:s31+$0x30]  }
0xbb: {  	v1 =	vld [tilespmem:s31+$0xFFFFFFD0]  }
0xbc: {  	v2 =	vld [tilespmem:s31+$0xFFFFFFE0]  }
0xbd: {  	v3 =	vld [tilespmem:s31+$0xFFFFFFF0]  }
0xbe: {  	v4 =	vld [tilespmem:s31+$0x0]  }
0xbf: {  	v6 =	vld [tilespmem:s31+$0x10]  }
0xc0: {  	v7 =	vld [tilespmem:s31+$0x20]  }
0xc1: {  	v8 =	vld [tilespmem:s31+$0xFFFFFFC0]  }
0xc2: {  	v9 =	vld.idx.msk [tilespmem:v0+s3+$0x0], $0xffff  }
0xc3: {  	v10 =	vld.idx.msk [tilespmem:v1+s3+$0x0], $0xffff  }
0xc4: {  	v5 =	vld.idx.msk [tilespmem:v2+s3+$0x0], $0xffff  }
0xc5: {  	v3 =	vld.idx.msk [tilespmem:v3+s3+$0x0], $0xffff  }
0xc6: {  	v0 =	vld.idx.msk [tilespmem:v4+s3+$0x0], $0xffff  }
0xc7: {  	s19 =	simm.s32 $0x1A740;
	v1 =	vld.idx.msk [tilespmem:v6+s3+$0x0], $0xffff  }
0xc8: {  	v2 =	vld.idx.msk [tilespmem:v7+s3+$0x0], $0xffff;
	[tilespmem:s19+$0x30] =	vst v9  }
0xc9: {  	s20 =	simm.s32 $0x0;
	s21 =	simm.s32 $0x187C0;
	v4 =	vld.idx.msk [tilespmem:v8+s3+$0x0], $0xffff;
	[tilespmem:s19+$0xFFFFFFD0] =	vst v10  }
.LBB2_9:
0xca: {  	v6 =	vld [tilespmem:s21+$0x30];
	s20 =	sadd.s32 $0x8, s20;
	[tilespmem:s19+$0xFFFFFFE0] =	vst v5  }
0xcb: {  	v5 =	vld [tilespmem:s21+$0xFFFFFFD0];
	p1 =	slt.u32 s20, $0x1F8;
	[tilespmem:s19+$0xFFFFFFF0] =	vst v3  }
0xcc: {  	v3 =	vld [tilespmem:s21+$0xFFFFFFE0];
	[tilespmem:s19+$0x0] =	vst v0  }
0xcd: {  	v0 =	vld [tilespmem:s21+$0xFFFFFFF0];
	[tilespmem:s19+$0x10] =	vst v1  }
0xce: {  	v1 =	vld [tilespmem:s21+$0x0];
	[tilespmem:s19+$0x20] =	vst v2  }
0xcf: {  	v2 =	vld [tilespmem:s21+$0x10];
	[tilespmem:s19+$0xFFFFFFC0] =	vst v4  }
0xd0: {  	v4 =	vld [tilespmem:s21+$0x20]  }
0xd1: {  	v7 =	vld [tilespmem:s21+$0xFFFFFFC0]  }
0xd2: {  	v6 =	vld.idx.msk [tilespmem:v6+s3+$0x0], $0xffff  }
0xd3: {  	v8 =	vld.idx.msk [tilespmem:v5+s3+$0x0], $0xffff  }
0xd4: {  	v5 =	vld.idx.msk [tilespmem:v3+s3+$0x0], $0xffff  }
.Ltmp6:
0xd5: {  	v3 =	vld.idx.msk [tilespmem:v0+s3+$0x0], $0xffff;
	(pc) =	sbr.rel @p1 .LBB2_9-.Ltmp6, $4  }
0xd6: {  	v0 =	vld.idx.msk [tilespmem:v1+s3+$0x0], $0xffff  }
0xd7: {  	s19 =	sadd.s32 $0x80, s19;
	v1 =	vld.idx.msk [tilespmem:v2+s3+$0x0], $0xffff  }
0xd8: {  	v2 =	vld.idx.msk [tilespmem:v4+s3+$0x0], $0xffff;
	[tilespmem:s19+$0x30] =	vst v6  }
0xd9: {  	s21 =	sadd.s32 $0x80, s21;
	v4 =	vld.idx.msk [tilespmem:v7+s3+$0x0], $0xffff;
	[tilespmem:s19+$0xFFFFFFD0] =	vst v8  }
.Ltmp7:
0xda: {  	_ = 	snop;
	(pc) =	sbr.rel .LBB2_10-.Ltmp7, $1  }
0xdb: {  	_ =	sdelay $0x3  }
.LBB2_12:
0xdc: {  	_ =	sfence.sel $0x180000  }
0xdd: {  	[bflag:$0x0] =	sbarrier.arrive $0xFFFF  }
0xde: {  	p0 =	sne.s32 s2, $0x0;
	_ =	strace $0x90000047  }
0xdf: {  	s0 =	sadd.s32 @!p0 $0x100000, s0;
	[bflag:$0x2] =	sbarrier.arrive $0xFFFF  }
0xe0: {  	[sflag:s0] =	ssyncadd.tile.s32 @!p0 $0x1;
	_ =	shalt  }
.Lfunc_end2:
_tile_overlayer_lowered:
.L_overlay_start_2:
0xe1: {  	(tag) =	ssettag $0x2  }
0xe2: {  	s0 =	rddreg [dreg:$0x0];
	s2 =	stileid.u32  }
0xe3: {  	s1 =	rddreg [dreg:$0x1];
	p0 =	sne.s32 s2, $0x0  }
0xe4: {  	s3 =	rddreg [dreg:$0x2];
	[bflag:$0x3] =	sbarrier.arrive $0xFFFF;
	s2 =	simm.s32 @!p0 $0x1C02  }
0xe5: {  	[timem:s3], [sflag:s2] =	dma.local @!p0 [hbm:s0], s1  }
0xe6: {  	s0 =	simm.s32 @!p0 $0x2  }
0xe7: {  	_ =	swait.ge @!p0 [sflag:s0], s1  }
0xe8: {  	s1 =	ssub.s32 @!p0 $0x0, s1;
	[sflag:s0] =	ssyncset.done @!p0 $0x0  }
0xe9: {  	[sflag:s0] =	ssyncadd.s32 @!p0 s1  }
0xea: {  	[bflag:$0x3] =	sbarrier.arrive $0xFFFF  }
0xeb: {  	_ =	shalt  }

</sc_bundles>
